<compile_context>
chip_gen: v7x
topology: tpu7x:2x2x1
jax: 0.10.2.dev20260603
libtpu: 0.0.44.dev20260713+nightly
codegen_flags: <defaults>
</compile_context>

<pallas_src>
import jax
import jax.numpy as jnp
from jax.experimental import pallas as pl


_TILE = 2048


def _fold_kernel(wl_ref, wlin_ref, bias_ref, wc_ref, bc_ref):
    wc_ref[...] = jax.lax.dot_general(
        wl_ref[...], wlin_ref[...], (((1,), (1,)), ((), ())),
        preferred_element_type=jnp.float32)
    bc_ref[...] = jax.lax.dot_general(
        bias_ref[...], wlin_ref[...], (((1,), (1,)), ((), ())),
        preferred_element_type=jnp.float32)


def _mm_kernel(h_ref, wc_ref, bc_ref, out_ref):
    out_ref[...] = jnp.dot(
        h_ref[...].astype(jnp.bfloat16), wc_ref[...].astype(jnp.bfloat16),
        preferred_element_type=jnp.float32,
    ) + bc_ref[...]


def kernel(x, edge_index, W_l, W_r, att, bias_conv, W_lin):
    B, S, F = x.shape
    C = W_lin.shape[0]
    N = B * S
    h = x.reshape(N, F)

    W_c, b_c = pl.pallas_call(
        _fold_kernel,
        out_shape=[
            jax.ShapeDtypeStruct((F, C), jnp.float32),
            jax.ShapeDtypeStruct((1, C), jnp.float32),
        ],
    )(W_l, W_lin, bias_conv.reshape(1, -1))

    out = pl.pallas_call(
        _mm_kernel,
        grid=(N // _TILE,),
        in_specs=[
            pl.BlockSpec((_TILE, F), lambda i: (i, 0)),
            pl.BlockSpec((F, C), lambda i: (0, 0)),
            pl.BlockSpec((1, C), lambda i: (0, 0)),
        ],
        out_specs=pl.BlockSpec((_TILE, C), lambda i: (i, 0)),
        out_shape=jax.ShapeDtypeStruct((N, C), jnp.float32),
    )(h, W_c, b_c)

    return out.reshape(B, S, C)

# --- scband reference (transcript-rebuilt; emitter-appended) ---
"""Pipeline reference for scband-gatmodel-self-22273700397600 (READ-ONLY COPY).

The authoritative reference and input builder live on the scoring server;
editing this copy changes nothing except your own understanding.
"""

import jax, jax.numpy as jnp
import numpy as np

B, S, F = 512, 100, 256
H, C = 4, 256


def setup_inputs(seed: int = 0) -> dict:
    key = jax.random.key(seed)
    ks = jax.random.split(key, 6)
    x = jax.random.normal(ks[0], (B, S, F), dtype=jnp.float32)
    N = B * S
    ids = jnp.arange(N, dtype=jnp.int32)
    edge_index = jnp.stack([ids, ids])  # self-loop per node, shape [2, N]
    W_l = jax.random.normal(ks[1], (F, H * C), dtype=jnp.float32) * (1.0 / np.sqrt(F))
    W_r = jax.random.normal(ks[2], (F, H * C), dtype=jnp.float32) * (1.0 / np.sqrt(F))
    att = jax.random.normal(ks[3], (H, C), dtype=jnp.float32) * (1.0 / np.sqrt(C))
    bias_conv = jnp.zeros((H * C,), dtype=jnp.float32)
    W_lin = jax.random.normal(ks[4], (C, H * C), dtype=jnp.float32) * (1.0 / np.sqrt(H * C))
    return {"x": x, "edge_index": edge_index, "W_l": W_l, "W_r": W_r, "att": att, "bias_conv": bias_conv, "W_lin": W_lin}


def reference(x, edge_index, W_l, W_r, att, bias_conv, W_lin):
    # flatten batch of windows into one big node set
    h = x.reshape(-1, x.shape[-1])  # [N, F]
    N = h.shape[0]
    # GATv2Conv (v2=True), heads=H, concat=True, dropout=0 (eval)
    xl = (h @ W_l).reshape(N, H, C)
    xr = (h @ W_r).reshape(N, H, C)
    src = edge_index[0]
    dst = edge_index[1]
    e = xl[src] + xr[dst]                      # [E, H, C]
    e = jax.nn.leaky_relu(e, negative_slope=0.2)
    logits = jnp.sum(e * att[None, :, :], axis=-1)   # [E, H]
    # softmax over incoming edges per destination node, per head
    m = jax.ops.segment_max(logits, dst, num_segments=N)
    logits = logits - m[dst]
    expv = jnp.exp(logits)
    denom = jax.ops.segment_sum(expv, dst, num_segments=N)
    alpha = expv / (denom[dst] + 1e-16)        # [E, H]
    msg = xl[src] * alpha[..., None]            # [E, H, C]
    out = jax.ops.segment_sum(msg, dst, num_segments=N)  # [N, H, C]
    out = out.reshape(N, H * C) + bias_conv
    # concat=True -> extra linear projection H*C -> C (no bias)
    out = out @ W_lin.T                         # [N, C]
    return out.reshape(-1, S, C)                # [B, window_size, feat_num]

if __name__ == "__main__":
    import jax
    _d = setup_inputs()
    print(jax.jit(kernel)(*tuple(_d.values())))

</pallas_src>

<mosaic_0001>
module attributes {stable_mosaic.version = 14 : i64} {
  func.func @_mm_kernel(%arg0: i32, %arg1: memref<2048x256xf32, #tpu.memory_space<vmem>>, %arg2: memref<256x256xf32, #tpu.memory_space<vmem>>, %arg3: memref<1x256xf32, #tpu.memory_space<vmem>>, %arg4: memref<2048x256xf32, #tpu.memory_space<vmem>>) attributes {dimension_semantics = [#tpu.dimension_semantics<arbitrary>], iteration_bounds = array<i64: 25>, scalar_prefetch = 0 : i64, scratch_operands = 0 : i64, tpu.core_type = #tpu.core_type<tc>, window_params = [{transform_indices = @transform_0, window_bounds = array<i64: 2048, 256>}, {pipeline_mode = #tpu.pipeline_mode<synchronous>, transform_indices = @transform_1, window_bounds = array<i64: 256, 256>}, {pipeline_mode = #tpu.pipeline_mode<synchronous>, transform_indices = @transform_2, window_bounds = array<i64: 1, 256>}, {transform_indices = @transform_3, window_bounds = array<i64: 2048, 256>}]} {
    %get3A = arith.constant 0 : index
    %get3A_0 = arith.constant 0 : index
    %get3A_1 = vector.load %arg1[%get3A, %get3A_0] : memref<2048x256xf32, #tpu.memory_space<vmem>>, vector<2048x256xf32>
    %convert_element_type3A = arith.truncf %get3A_1 : vector<2048x256xf32> to vector<2048x256xbf16>
    %get3A_2 = arith.constant 0 : index
    %get3A_3 = arith.constant 0 : index
    %get3A_4 = vector.load %arg2[%get3A_2, %get3A_3] : memref<256x256xf32, #tpu.memory_space<vmem>>, vector<256x256xf32>
    %convert_element_type3A_5 = arith.truncf %get3A_4 : vector<256x256xf32> to vector<256x256xbf16>
    %dot_general3A = arith.constant dense<0.000000e+00> : vector<2048x256xf32>
    %dot_general3A_6 = tpu.matmul %convert_element_type3A, %convert_element_type3A_5, %dot_general3A {dimension_numbers = #tpu.dot_dimension_numbers<[1], [0], [0], [1], [0, 0, 1, 1], [], []>, transpose_lhs_hint = false} : vector<2048x256xbf16>, vector<256x256xbf16>, vector<2048x256xf32> -> vector<2048x256xf32>
    %get3A_7 = arith.constant 0 : index
    %get3A_8 = arith.constant 0 : index
    %get3A_9 = vector.load %arg3[%get3A_7, %get3A_8] : memref<1x256xf32, #tpu.memory_space<vmem>>, vector<1x256xf32>
    %add3A = vector.broadcast %get3A_9 : vector<1x256xf32> to vector<2048x256xf32>
    %add3A_10 = arith.addf %dot_general3A_6, %add3A : vector<2048x256xf32>
    %swap3A = arith.constant 0 : index
    %swap3A_11 = arith.constant 0 : index
    %swap3A_12 = vector.load %arg4[%swap3A, %swap3A_11] : memref<2048x256xf32, #tpu.memory_space<vmem>>, vector<2048x256xf32>
    tpu.vector_store %arg4[%swap3A, %swap3A_11], %add3A_10 {strides = array<i32>} : memref<2048x256xf32, #tpu.memory_space<vmem>>, vector<2048x256xf32>,
    return
  }
  func.func @transform_0(%arg0: i32) -> (i32, i32) {
    %c0_i32 = arith.constant 0 : i32
    %c0_i32_0 = arith.constant 0 : i32
    return %arg0, %c0_i32 : i32, i32
  }
  func.func @transform_1(%arg0: i32) -> (i32, i32) {
    %c0_i32 = arith.constant 0 : i32
    %c0_i32_0 = arith.constant 0 : i32
    %c0_i32_1 = arith.constant 0 : i32
    return %c0_i32, %c0_i32_0 : i32, i32
  }
  func.func @transform_2(%arg0: i32) -> (i32, i32) {
    %c0_i32 = arith.constant 0 : i32
    %c0_i32_0 = arith.constant 0 : i32
    %c0_i32_1 = arith.constant 0 : i32
    return %c0_i32, %c0_i32_0 : i32, i32
  }
  func.func @transform_3(%arg0: i32) -> (i32, i32) {
    %c0_i32 = arith.constant 0 : i32
    %c0_i32_0 = arith.constant 0 : i32
    return %arg0, %c0_i32 : i32, i32
  }
}

module attributes {stable_mosaic.version = 14 : i64} {
  func.func @_fold_kernel(%arg0: memref<256x1024xf32, #tpu.memory_space<vmem>>, %arg1: memref<256x1024xf32, #tpu.memory_space<vmem>>, %arg2: memref<1x1024xf32, #tpu.memory_space<vmem>>, %arg3: memref<256x256xf32, #tpu.memory_space<vmem>>, %arg4: memref<1x256xf32, #tpu.memory_space<vmem>>) attributes {dimension_semantics = [], scalar_prefetch = 0 : i64, scratch_operands = 0 : i64, tpu.core_type = #tpu.core_type<tc>} {
    %get3A = arith.constant 0 : index
    %get3A_0 = arith.constant 0 : index
    %get3A_1 = vector.load %arg0[%get3A, %get3A_0] : memref<256x1024xf32, #tpu.memory_space<vmem>>, vector<256x1024xf32>
    %get3A_2 = arith.constant 0 : index
    %get3A_3 = arith.constant 0 : index
    %get3A_4 = vector.load %arg1[%get3A_2, %get3A_3] : memref<256x1024xf32, #tpu.memory_space<vmem>>, vector<256x1024xf32>
    %dot_general3A = arith.constant dense<0.000000e+00> : vector<256x256xf32>
    %dot_general3A_5 = tpu.matmul %get3A_1, %get3A_4, %dot_general3A {dimension_numbers = #tpu.dot_dimension_numbers<[1], [1], [0], [0], [0, 0, 1, 0], [], []>, transpose_lhs_hint = false} : vector<256x1024xf32>, vector<256x1024xf32>, vector<256x256xf32> -> vector<256x256xf32>
    %swap3A = arith.constant 0 : index
    %swap3A_6 = arith.constant 0 : index
    %swap3A_7 = vector.load %arg3[%swap3A, %swap3A_6] : memref<256x256xf32, #tpu.memory_space<vmem>>, vector<256x256xf32>
    tpu.vector_store %arg3[%swap3A, %swap3A_6], %dot_general3A_5 {strides = array<i32>} : memref<256x256xf32, #tpu.memory_space<vmem>>, vector<256x256xf32>,
    %get3A_8 = arith.constant 0 : index
    %get3A_9 = arith.constant 0 : index
    %get3A_10 = vector.load %arg2[%get3A_8, %get3A_9] : memref<1x1024xf32, #tpu.memory_space<vmem>>, vector<1x1024xf32>
    %get3A_11 = arith.constant 0 : index
    %get3A_12 = arith.constant 0 : index
    %get3A_13 = vector.load %arg1[%get3A_11, %get3A_12] : memref<256x1024xf32, #tpu.memory_space<vmem>>, vector<256x1024xf32>
    %dot_general3A_14 = arith.constant dense<0.000000e+00> : vector<1x256xf32>
    %dot_general3A_15 = tpu.matmul %get3A_10, %get3A_13, %dot_general3A_14 {dimension_numbers = #tpu.dot_dimension_numbers<[1], [1], [0], [0], [0, 0, 1, 0], [], []>, transpose_lhs_hint = false} : vector<1x1024xf32>, vector<256x1024xf32>, vector<1x256xf32> -> vector<1x256xf32>
    %swap3A_16 = arith.constant 0 : index
    %swap3A_17 = arith.constant 0 : index
    %swap3A_18 = vector.load %arg4[%swap3A_16, %swap3A_17] : memref<1x256xf32, #tpu.memory_space<vmem>>, vector<1x256xf32>
    tpu.vector_store %arg4[%swap3A_16, %swap3A_17], %dot_general3A_15 {strides = array<i32>} : memref<1x256xf32, #tpu.memory_space<vmem>>, vector<1x256xf32>,
    return
  }
}

</mosaic_0001>

<sc_bundles>
// kernel: sparse-core-data-format-call.cloned.1.call-start
scs
called_computation_lowered:
.L_overlay_start_0:
0x0: {  	s2 =	sld [smem:$0x3FD9]  }
0x1: {  	s3 =	sld [smem:$0x3FFE];
	_ =	sdelay $0x1  }
0x2: {  	s1 =	srdreg.scid  }
0x3: {  	s0 =	sand.u32 $0x1, s1  }
0x4: {  	s18 =	sshll.u32 s0, $0xA;
	s2 =	sadd.s32 s3, s2  }
0x5: {  	s2 =	sadd.s32 s2, s18  }
0x6: {  	[smem:$0x3FC4] =	sst s2  }
0x7: {  	_ = 	snop  }
0x8: {  	s2 =	sld [smem:$0x3FD0];
	(tm) =	ssettm $0x1  }
0x9: {  	s19 =	sld [smem:$0x3FFB];
	_ =	sdelay $0x3  }
0xa: {  	_ =	strace s19  }
0xb: {  	s3 =	sld [smem:$0x3FFC];
	_ =	sdelay $0x3  }
0xc: {  	_ =	strace s3  }
0xd: {  	s3 =	sld [smem:$0x3FFD];
	_ =	sdelay $0x3  }
0xe: {  	_ =	strace s3  }
0xf: {  	_ =	strace $0x8FFFFFFF  }
0x10: {  	s20 =	sld [smem:$0x3FDB];
	_ =	sdelay $0x1  }
0x11: {  	s4 =	simm.s32 $_scs_section_size  }
0x12: {  	s5 =	simm.s32 $_size__tile_overlayer_lowered;
	s6 =	simm.s32 $_tile_overlayer_lowered  }
0x13: {  	s23 =	simm.s32 $0x1BFF;
	s22 =	sshll.u32 s6, $0x1;
	s3 =	sadd.s32 s4, s20  }
0x14: {  	s7 =	simm.s32 $0x0;
	s21 =	sshll.u32 s5, $0x1;
	s5 =	sadd.s32 s22, s3  }
0x15: {  	[timem:s7], [sflag:s23] =	dma.local [hbm:s5], s21  }
0x16: {  	_ =	swait.ge [sflag:s23], s21  }
0x17: {  	s4 =	ssub.s32 $0x0, s21;
	[sflag:s23] =	ssyncset.done $0x0  }
0x18: {  	[sflag:s23] =	ssyncadd.s32 s4;
	_ =	sdelay $0x1  }
0x19: {  	s24 =	simm.s32 $0x1B8B  }
0x1a: {  	_ =	swait.ge [sflag:s24], $0x1  }
0x1b: {  	[sflag:s24] =	ssyncset.done $0x0  }
0x1c: {  	s26 =	simm.s32 $0x1B8E;
	s25 =	sld [smem:$0x3FFE];
	[sflag:s24] =	ssyncadd.s32 $0xFFFFFFFF  }
0x1d: {  	s27 =	simm.s32 $execute0_lowered;
	[smem:$0x3FD2] =	sst s26  }
0x1e: {  	s5 =	sshll.u32 s27, $0x1;
	_ =	strace $0x80000046;
	[dreg:$0x1] =	wrdreg $0xFFFFFFFF  }
0x1f: {  	s28 =	simm.s32 $_size_execute0_lowered;
	s3 =	sadd.s32 s3, s5;
	[dreg:$0x0] =	wrdreg $0x0  }
0x20: {  	s5 =	sshll.u32 s28, $0x1;
	[dreg:$0x2] =	wrdreg s3  }
0x21: {  	[dreg:$0x3] =	wrdreg s5  }
0x22: {  	[dreg:$0x4] =	wrdreg $0xC0  }
0x23: {  	_ =	task [dreg:s7], $0x5FFFF  }
0x24: {  	[dreg:$0x1] =	wrdreg $0xFFFFFFFF  }
0x25: {  	[dreg:$0x0] =	wrdreg $0x60  }
0x26: {  	[dreg:$0x2] =	wrdreg s25  }
0x27: {  	[dreg:$0x3] =	wrdreg s2  }
0x28: {  	[dreg:$0x4] =	wrdreg $0x9  }
0x29: {  	_ =	task.clear_ibuf [dreg:s7], $0x5FFFF;
	_ =	strace $0x90000046  }
0x2a: {  	s29 =	simm.s32 $0x9;
	_ =	strace $0x80000048  }
0x2b: {  	_ =	swait.ge [sflag:s29], $0x1  }
0x2c: {  	[sflag:s29] =	ssyncadd.s32 $0xFFFFFFFF  }
0x2d: {  	_ =	strace $0x90000048  }
0x2e: {  	_ =	sfence  }
0x2f: {  	s30 =	sld [smem:$0x0];
	_ =	sdelay $0x2  }
0x30: {  	s31 =	sshll.u32 s1, $0xD;
	s1 =	sshrl.u32 s1, $0x2  }
0x31: {  	s3 =	sand.u32 $0x4000, s31;
	s1 =	sadd.s32 s1, s30  }
0x32: {  	s0 =	sor.u32 s3, s0;
	s1 =	sshll.u32 s1, $0x11  }
0x33: {  	s0 =	sor.u32 s1, s0  }
0x34: {  	s0 =	sadd.s32 $0x8F2B, s0  }
0x35: {  	[sflag:s0] =	ssyncadd.remote.s32 $0x1  }
0x36: {  	_ =	sfence.sel $0xFFFF  }
0x37: {  	[dreg:$0x0] =	wrdreg $0xFFFFFFFF;
	(pc) =	sbr.abs _section_cstart, $3  }
0x38: {  	[dreg:$0x1] =	wrdreg $0xFFFFFFFF  }
0x39: {  	_ =	task.clear_ibuf [dreg:s7], $0x2FFFF;
	_ =	strace $0x9FFFFFFF  }
0x3a: {  	(tm) =	ssettm $0x7FFFFFFF  }
0x3b: {  	_ =	shalt  }
tec
execute0_lowered:
.L_overlay_start_1:
0x0: {  	(tag) =	ssettag $0x1  }
0x1: {  	s0 =	stileid.u32  }
0x2: {  	s2 =	srdreg.scid;
	s7 =	rddreg [dreg:$0x0]  }
0x3: {  	s9 =	simm.s32 $0x2;
	s19 =	simm.s32 $0x0;
	s1 =	sshll.u32 s0, $0x7  }
0x4: {  	s11 =	simm.s32 $0x400;
	s2 =	sshll.u32 s2, $0x7;
	s1 =	sand.u32 $0x180, s1  }
0x5: {  	s12 =	simm.s32 $0x800;
	s2 =	sand.u32 $0x80, s2;
	s3 =	ssub.s32 $0x200, s1  }
0x6: {  	s4 =	ssub.s32 $0x100, s2;
	s5 =	sshrl.u32 s3, $0x9;
	s3 =	sand.u32 $0x180, s3  }
0x7: {  	s6 =	sshrl.u32 s4, $0x7;
	p0 =	sne.s32 s3, $0x0;
	s3 =	simm.s32 $0x1  }
0x8: {  	s8 =	sshrl.u32 s4, $0x8;
	s6 =	sand.u32 $0x1, s6;
	s3 =	simm.s32 @!p0 $0x0  }
0x9: {  	s13 =	simm.s32 $0x0;
	s6 =	sadd.s32 s8, s6;
	s5 =	sadd.s32 s3, s5  }
0xa: {  	s17 =	simm.s32 $0x0;
	s18 =	simm.s32 $0x0;
	s6 =	smul.u32 s6, s5  }
.Ltmp0:
0xb: {  	s16 =	simm.s32 $0x0;
	s4 =	rddreg [dreg:$0x1];
	(pc) =	sbr.rel .LBB1_1-.Ltmp0, $4  }
0xc: {  	s7 =	sadd.s32 $0x190C00, s7;
	s8 =	sshrl.u32 s0, $0x2;
	s3 =	rddreg [dreg:$0x2]  }
0xd: {  	_ =	strace $0x80000047;
	s5 =	simm.s32 $0x1;
	s6 =	smul.u32 $0x19, s6  }
0xe: {  	s15 =	smov.u32 s1;
	s14 =	smov.u32 s8;
	[sflag:s5] =	ssyncpa.u1 $0x0  }
0xf: {  	[sflag:s9] =	ssyncpa.u1 $0x0;
	s9 =	sshll.u32 s2, $0x3;
	s10 =	sadd.s32 $0x1, s6  }
.LBB1_4:
0x10: {  	_ =	sdelay $0x3  }
0x11: {  	[tilespmem:v0+s22+$0xFFFFFFD0 ss:$0x1] =	vst.idx.msk $0xffff, v6  }
0x12: {  	v56 =	vld.idx.msk [tilespmem:v1+s21+$0x0 ss:$0x1], $0xffff;
	[tilespmem:v0+s22+$0xFFFFFFE0 ss:$0x1] =	vst.idx.msk $0xffff, v4  }
0x13: {  	v57 =	vld.idx.msk [tilespmem:v1+s21+$0xFFFFFF90 ss:$0x1], $0xffff;
	[tilespmem:v0+s22+$0xFFFFFFF0 ss:$0x1] =	vst.idx.msk $0xffff, v2  }
0x14: {  	v58 =	vld.idx.msk [tilespmem:v1+s21+$0xFFFFFFA0 ss:$0x1], $0xffff;
	[tilespmem:v0+s22+$0x0 ss:$0x1] =	vst.idx.msk $0xffff, v3  }
0x15: {  	v59 =	vld.idx.msk [tilespmem:v1+s21+$0xFFFFFFB0 ss:$0x1], $0xffff;
	[tilespmem:v0+s22+$0x10 ss:$0x1] =	vst.idx.msk $0xffff, v5  }
0x16: {  	v60 =	vld.idx.msk [tilespmem:v1+s21+$0xFFFFFFC0 ss:$0x1], $0xffff;
	[tilespmem:v0+s22+$0x20 ss:$0x1] =	vst.idx.msk $0xffff, v7  }
0x17: {  	v61 =	vld.idx.msk [tilespmem:v1+s21+$0xFFFFFFD0 ss:$0x1], $0xffff;
	[tilespmem:v0+s21+$0x30 ss:$0x1] =	vst.idx.msk $0xffff, v56  }
0x18: {  	v62 =	vld.idx.msk [tilespmem:v1+s21+$0xFFFFFFE0 ss:$0x1], $0xffff;
	s29 =	sshll.u32 s18, $0x8;
	[tilespmem:v0+s21+$0xFFFFFFC0 ss:$0x1] =	vst.idx.msk $0xffff, v57  }
0x19: {  	v63 =	vld.idx.msk [tilespmem:v1+s21+$0xFFFFFFF0 ss:$0x1], $0xffff;
	s19 =	sshll.u32 s19, $0x3;
	s23 =	sshll.u32 s18, $0x7;
	s22 =	sand.u32 $0x1F800, s29;
	[tilespmem:v0+s21+$0xFFFFFFD0 ss:$0x1] =	vst.idx.msk $0xffff, v58  }
0x1a: {  	s30 =	sand.u32 $0x300, s23;
	s19 =	sor.u32 s22, s19;
	[tilespmem:v0+s21+$0xFFFFFFE0 ss:$0x1] =	vst.idx.msk $0xffff, v59  }
0x1b: {  	s17 =	sshll.u32 s17, $0xE;
	s31 =	sshll.u32 s18, $0x4;
	s19 =	sor.u32 s30, s19;
	[tilespmem:v0+s21+$0xFFFFFFF0 ss:$0x1] =	vst.idx.msk $0xffff, v60  }
0x1c: {  	s18 =	sand.u32 $0x10, s31;
	s17 =	sadd.s32 s4, s17;
	s19 =	sshrl.u32 s19, $0x3;
	[tilespmem:v0+s21+$0x0 ss:$0x1] =	vst.idx.msk $0xffff, v61  }
0x1d: {  	s17 =	sadd.s32 s18, s17;
	[tilespmem:v0+s21+$0x10 ss:$0x1] =	vst.idx.msk $0xffff, v62;
	s19 =	sand.u32 $0x3FE0, s19  }
0x1e: {  	[tilespmem:v0+s21+$0x20 ss:$0x1] =	vst.idx.msk $0xffff, v63;
	s17 =	sadd.s32 s19, s17  }
0x1f: {  	[hbm4b:s17+s11] =	stream.strided.scatter [tilespmem:s20], [sflag:$0x2], $0x4000, s12, s11, $0x38;
	[tilespmem:$0x10000] =	vst v63  }
.LBB1_5:
0x20: {  	s20 =	sadd.s32 $0x4, s14  }
0x21: {  	s17 =	sadd.s32 $0x200, s15;
	s21 =	smov.u32 s15;
	p1 =	sgt.s32 s20, $0x63  }
0x22: {  	s21 =	smov.u32 @p1 s17  }
0x23: {  	s20 =	smov.u32 @p1 s8;
	p1 =	sgt.s32 s21, $0x1FF  }
0x24: {  	s21 =	smov.u32 @p1 s1;
	p1 =	sne.s32 s16, s10  }
.Ltmp1:
0x25: {  	p0 =	slt.u32 s16, $0x2;
	(pc) =	sbr.rel @!p1 .LBB1_6-.Ltmp1, $4  }
0x26: {  	s18 =	smov.u32 s15;
	s19 =	simm.s32 @!p0 $0x2  }
0x27: {  	s13 =	sadd.s32 $0x4000, s13;
	_ =	swait.ge @!p0 [sflag:s19], $0x4000;
	s17 =	smov.u32 s14  }
0x28: {  	[sflag:s19] =	ssyncset.done @!p0 $0x0;
	s14 =	smov.u32 s20;
	s16 =	sadd.s32 $0x1, s16  }
0x29: {  	[sflag:s19] =	ssyncadd.s32 @!p0 $0xFFFFC000;
	s19 =	smov.u32 s2;
	s15 =	smov.u32 s21  }
.LBB1_1:
0x2a: {  	p0 =	sge.u32 s16, s6  }
0x2b: {  	s20 =	sshll.u32 @!p0 s14, $0x8  }
0x2c: {  	s21 =	sshll.u32 @!p0 s14, $0x7;
	s20 =	sand.u32 @!p0 $0xFFFFF800, s20  }
0x2d: {  	s21 =	sand.u32 @!p0 $0x300, s21;
	s20 =	sor.u32 @!p0 s9, s20  }
0x2e: {  	s20 =	sor.u32 @!p0 s21, s20  }
0x2f: {  	s20 =	sshrl.u32 @!p0 s20, $0x8  }
0x30: {  	s21 =	smulhi.u32 @!p0 $0x2762763, s20;
	_ =	sdelay $0x1  }
0x31: {  	s21 =	smul.u32 @!p0 $0x68, s21  }
0x32: {  	s31 =	sadd.s32 $0xFFFFFFFF, s16;
	s22 =	smul.u32 @!p0 $0xD00, s15  }
0x33: {  	s23 =	sxor.u32 @!p0 $0xFFFFFFFF, s16;
	s20 =	ssub.s32 @!p0 s20, s21;
	s21 =	sshll.u32 @!p0 s14, $0x4  }
0x34: {  	s23 =	sshll.u32 @!p0 s23, $0xE;
	s22 =	sadd.s32 @!p0 s7, s22;
	s21 =	sand.u32 @!p0 $0x10, s21  }
0x35: {  	s23 =	sand.u32 @!p0 $0x4000, s23;
	s20 =	sshll.u32 @!p0 s20, $0x5;
	s21 =	sadd.s32 @!p0 s21, s22  }
0x36: {  	s22 =	simm.s32 @!p0 $0x6800;
	s20 =	sadd.s32 @!p0 s20, s21;
	s21 =	simm.s32 @!p0 $0x80  }
0x37: {  	[tilespmem:s23], [sflag:$0x1] =	stream.strided.gather @!p0 [hbm4b:s20+s21], $0x4000, s22, s21, $0x38;
	[tilespmem:$0x10000] =	vst v63  }
0x38: {  	p0 =	sge.u32 s31, s6  }
.Ltmp2:
0x39: {  	_ = 	snop;
	(pc) =	sbr.rel @p0 .LBB1_5-.Ltmp2, $1  }
0x3a: {  	_ =	sdelay $0x3  }
0x3b: {  	s20 =	sand.u32 $0x4000, s13  }
0x3c: {  	s21 =	sor.u32 $0x70, s20  }
0x3d: {  	v1 =	vmov s21;
	_ =	sdelay $0x1  }
0x3e: {  	_ =	swait.ge [sflag:s5], $0x4000  }
0x3f: {  	[sflag:s5] =	ssyncset.done $0x0  }
0x40: {  	s22 =	simm.s32 $0x0;
	[sflag:s5] =	ssyncadd.s32 $0xFFFFC000  }
0x41: {  	s20 =	sor.u32 $0x8040, s20;
	v7 =	vld.idx.msk [tilespmem:v1+s22+$0x0 ss:$0x1], $0xffff  }
0x42: {  	v0 =	vmov s20;
	v8 =	vld.idx.msk [tilespmem:v1+s22+$0xFFFFFF90 ss:$0x1], $0xffff  }
0x43: {  	v6 =	vld.idx.msk [tilespmem:v1+s22+$0xFFFFFFA0 ss:$0x1], $0xffff  }
0x44: {  	v4 =	vld.idx.msk [tilespmem:v1+s22+$0xFFFFFFB0 ss:$0x1], $0xffff  }
0x45: {  	v2 =	vld.idx.msk [tilespmem:v1+s22+$0xFFFFFFC0 ss:$0x1], $0xffff  }
0x46: {  	s31 =	sshll.u32 s16, $0xE;
	v3 =	vld.idx.msk [tilespmem:v1+s22+$0xFFFFFFD0 ss:$0x1], $0xffff  }
0x47: {  	s20 =	sand.u32 $0x4000, s31;
	v5 =	vld.idx.msk [tilespmem:v1+s22+$0xFFFFFFE0 ss:$0x1], $0xffff;
	[tilespmem:v0+s22+$0x30 ss:$0x1] =	vst.idx.msk $0xffff, v7  }
0x48: {  	s23 =	simm.s32 $0x400;
	s21 =	simm.s32 $0x80;
	s20 =	sor.u32 $0x8000, s20;
	[tilespmem:v0+s22+$0xFFFFFFC0 ss:$0x1] =	vst.idx.msk $0xffff, v8;
	v7 =	vld.idx.msk [tilespmem:v1+s22+$0xFFFFFFF0 ss:$0x1], $0xffff  }
.LBB1_3:
0x49: {  	p0 =	sne.s32 s23, $0xFE00;
	v8 =	vld.idx.msk [tilespmem:v1+s21+$0x0 ss:$0x1], $0xffff;
	[tilespmem:v0+s22+$0xFFFFFFD0 ss:$0x1] =	vst.idx.msk $0xffff, v6  }
0x4a: {  	v9 =	vld.idx.msk [tilespmem:v1+s21+$0xFFFFFF90 ss:$0x1], $0xffff;
	[tilespmem:v0+s22+$0xFFFFFFE0 ss:$0x1] =	vst.idx.msk $0xffff, v4  }
0x4b: {  	v6 =	vld.idx.msk [tilespmem:v1+s21+$0xFFFFFFA0 ss:$0x1], $0xffff;
	[tilespmem:v0+s22+$0xFFFFFFF0 ss:$0x1] =	vst.idx.msk $0xffff, v2  }
.Ltmp3:
0x4c: {  	v4 =	vld.idx.msk [tilespmem:v1+s21+$0xFFFFFFB0 ss:$0x1], $0xffff;
	[tilespmem:v0+s22+$0x0 ss:$0x1] =	vst.idx.msk $0xffff, v3;
	(pc) =	sbr.rel @p0 .LBB1_3-.Ltmp3, $4  }
0x4d: {  	v2 =	vld.idx.msk [tilespmem:v1+s21+$0xFFFFFFC0 ss:$0x1], $0xffff;
	[tilespmem:v0+s22+$0x10 ss:$0x1] =	vst.idx.msk $0xffff, v5  }
0x4e: {  	v3 =	vld.idx.msk [tilespmem:v1+s21+$0xFFFFFFD0 ss:$0x1], $0xffff;
	[tilespmem:v0+s22+$0x20 ss:$0x1] =	vst.idx.msk $0xffff, v7;
	s22 =	smov.u32 s21  }
0x4f: {  	v5 =	vld.idx.msk [tilespmem:v1+s22+$0xFFFFFFE0 ss:$0x1], $0xffff;
	[tilespmem:v0+s22+$0x30 ss:$0x1] =	vst.idx.msk $0xffff, v8  }
0x50: {  	s21 =	sshra.s32 s23, $0x2;
	s23 =	sadd.s32 $0x200, s23;
	[tilespmem:v0+s22+$0xFFFFFFC0 ss:$0x1] =	vst.idx.msk $0xffff, v9;
	v7 =	vld.idx.msk [tilespmem:v1+s22+$0xFFFFFFF0 ss:$0x1], $0xffff  }
.Ltmp4:
0x51: {  	_ = 	snop;
	(pc) =	sbr.rel .LBB1_4-.Ltmp4, $1  }
0x52: {  	_ =	sdelay $0x3  }
.LBB1_6:
0x53: {  	_ =	sfence.sel $0x180000  }
0x54: {  	s1 =	simm.s32 $0x1;
	[bflag:$0x0] =	sbarrier.arrive $0xFFFF  }
0x55: {  	s31 =	simm.s32 $0x2;
	[sflag:s1] =	ssyncpa.u1 $0x1  }
0x56: {  	[sflag:s31] =	ssyncpa.u1 $0x1  }
0x57: {  	p0 =	sne.s32 s0, $0x0;
	_ =	strace $0x90000047  }
0x58: {  	s0 =	sadd.s32 @!p0 $0x100000, s3;
	[bflag:$0x2] =	sbarrier.arrive $0xFFFF  }
0x59: {  	[sflag:s0] =	ssyncadd.tile.s32 @!p0 $0x1;
	_ =	shalt  }
.Lfunc_end1:
_tile_overlayer_lowered:
.L_overlay_start_2:
0x5a: {  	(tag) =	ssettag $0x2  }
0x5b: {  	s0 =	rddreg [dreg:$0x0];
	s2 =	stileid.u32  }
0x5c: {  	s1 =	rddreg [dreg:$0x1];
	p0 =	sne.s32 s2, $0x0  }
0x5d: {  	s3 =	rddreg [dreg:$0x2];
	[bflag:$0x3] =	sbarrier.arrive $0xFFFF;
	s2 =	simm.s32 @!p0 $0x1C01  }
0x5e: {  	[timem:s3], [sflag:s2] =	dma.local @!p0 [hbm:s0], s1  }
0x5f: {  	s0 =	simm.s32 @!p0 $0x1  }
0x60: {  	_ =	swait.ge @!p0 [sflag:s0], s1  }
0x61: {  	s1 =	ssub.s32 @!p0 $0x0, s1;
	[sflag:s0] =	ssyncset.done @!p0 $0x0  }
0x62: {  	[sflag:s0] =	ssyncadd.s32 @!p0 s1  }
0x63: {  	[bflag:$0x3] =	sbarrier.arrive $0xFFFF  }
0x64: {  	_ =	shalt  }

</sc_bundles>
